<compile_context>
chip_gen: v7x
topology: tpu7x:2x2x1
jax: 0.10.2.dev20260603
libtpu: 0.0.44.dev20260713+nightly
codegen_flags: <defaults>
</compile_context>

<pallas_src>
import functools

import jax
import jax.numpy as jnp
from jax import lax
from jax.experimental import pallas as pl
from jax.experimental.pallas import tpu as pltpu
from jax.experimental.pallas import tpu_sc as plsc


def kernel(p1, p2, table):
    B = p1.shape[0]
    V = table.shape[0]
    info = plsc.get_sparse_core_info()
    NS, L = info.num_subcores, info.num_lanes
    b_per_w = B // NS

    pad = (-V) % 1024
    tab = jnp.pad(table, ((0, pad), (0, 0))).reshape(-1)

    mesh = plsc.VectorSubcoreMesh(
        core_axis_name="c", subcore_axis_name="s", num_cores=1
    )

    @functools.partial(
        pl.kernel,
        mesh=mesh,
        out_type=jax.ShapeDtypeStruct((B,), jnp.float32),
        scratch_types=[
            pltpu.VMEM((b_per_w,), jnp.int32),
            pltpu.VMEM((b_per_w,), jnp.int32),
            pltpu.VMEM((b_per_w,), jnp.float32),
            pltpu.VMEM((b_per_w,), jnp.float32),
            pltpu.VMEM((b_per_w,), jnp.float32),
            pltpu.SemaphoreType.DMA,
            pltpu.SemaphoreType.DMA,
        ],
    )
    def _elo(p1_hbm, p2_hbm, tab_hbm, out_hbm, i1_v, i2_v, r1_v, r2_v, o_v,
             sem1, sem2):
        base = lax.axis_index("s") * b_per_w
        ci1 = pltpu.async_copy(p1_hbm.at[pl.ds(base, b_per_w)], i1_v, sem1)
        ci2 = pltpu.async_copy(p2_hbm.at[pl.ds(base, b_per_w)], i2_v, sem2)
        ci1.wait()
        c1 = pltpu.async_copy(tab_hbm.at[i1_v], r1_v, sem1)
        ci2.wait()
        c2 = pltpu.async_copy(tab_hbm.at[i2_v], r2_v, sem2)
        c1.wait()
        c2.wait()

        def body(i, carry):
            s = pl.ds(i * L, L)
            d = r2_v[s] - r1_v[s]
            o_v[s] = 1.0 / (1.0 + jnp.exp(d))
            return carry

        lax.fori_loop(0, b_per_w // L, body, 0, unroll=False)
        pltpu.sync_copy(o_v, out_hbm.at[pl.ds(base, b_per_w)])

    return _elo(p1, p2, tab)

# --- scband reference (transcript-rebuilt; emitter-appended) ---
"""Pipeline reference for scband-neural-elo-59519656788341 (READ-ONLY COPY).

The authoritative reference and input builder live on the scoring server;
editing this copy changes nothing except your own understanding.
"""

import jax, jax.numpy as jnp
import numpy as np

NUM_PLAYERS = 1000000
BATCH = 16384

def setup_inputs(seed: int = 0) -> dict:
    key = jax.random.key(seed)
    k1, k2, k3 = jax.random.split(key, 3)
    p1 = jax.random.randint(k1, (BATCH,), 0, NUM_PLAYERS, dtype=jnp.int64 if jax.config.jax_enable_x64 else jnp.int32)
    p2 = jax.random.randint(k2, (BATCH,), 0, NUM_PLAYERS, dtype=jnp.int64 if jax.config.jax_enable_x64 else jnp.int32)
    # embedding table [num_players, 1], init like nn.Embedding (normal(0,1))
    table = jax.random.normal(k3, (NUM_PLAYERS, 1), dtype=jnp.float32)
    return {"p1": p1, "p2": p2, "table": table}

def reference(p1, p2, table):
    r1 = jnp.take(table, p1, axis=0).squeeze(-1)  # [B]
    r2 = jnp.take(table, p2, axis=0).squeeze(-1)  # [B]
    return jax.nn.sigmoid(r1 - r2)

if __name__ == "__main__":
    import jax
    _d = setup_inputs()
    print(jax.jit(kernel)(*tuple(_d.values())))

</pallas_src>

<mosaic_0001>
#map = affine_map<(d0, d1) -> (0)>
module attributes {stable_mosaic.version = 14 : i64} {
  func.func @_elo(%arg0: i32, %arg1: i32, %arg2: memref<16384xi32, #tpu.memory_space<hbm>>, %arg3: memref<16384xi32, #tpu.memory_space<hbm>>, %arg4: memref<1000448xf32, #tpu.memory_space<hbm>>, %arg5: memref<16384xf32, #tpu.memory_space<hbm>>, %arg6: memref<1024xi32, #tpu.memory_space<vmem>>, %arg7: memref<1024xi32, #tpu.memory_space<vmem>>, %arg8: memref<1024xf32, #tpu.memory_space<vmem>>, %arg9: memref<1024xf32, #tpu.memory_space<vmem>>, %arg10: memref<1024xf32, #tpu.memory_space<vmem>>, %arg11: memref<!tpu.dma_semaphore, #tpu.memory_space<semaphore_mem>>, %arg12: memref<!tpu.dma_semaphore, #tpu.memory_space<semaphore_mem>>) attributes {dimension_semantics = [#tpu.dimension_semantics<core_parallel>, #tpu.dimension_semantics<subcore_parallel>], iteration_bounds = array<i64: 1, 16>, scalar_prefetch = 0 : i64, scratch_operands = 7 : i64, tpu.core_type = #tpu.core_type<sc_vector_subcore>, window_params = [{transform_indices = #map}, {transform_indices = #map}, {transform_indices = #map}, {transform_indices = #map}]} {
    %mul3A = arith.constant 1024 : i32
    %mul3A_0 = arith.muli %arg1, %mul3A : i32
    %dma_start3A = tpu.memref_slice %arg2[%mul3A_0] : memref<16384xi32, #tpu.memory_space<hbm>> -> memref<1024xi32, #tpu.memory_space<hbm>>
    %dma_start3A_1 = tpu.memref_slice %arg2[%mul3A_0] : memref<16384xi32, #tpu.memory_space<hbm>> -> memref<1024xi32, #tpu.memory_space<hbm>>
    tpu.enqueue_dma source(%dma_start3A_1 : memref<1024xi32, #tpu.memory_space<hbm>>) target(%arg6 : memref<1024xi32, #tpu.memory_space<vmem>>) target_semaphore(%arg11 : memref<!tpu.dma_semaphore, #tpu.memory_space<semaphore_mem>>)
    %dma_start3A_2 = tpu.memref_slice %arg3[%mul3A_0] : memref<16384xi32, #tpu.memory_space<hbm>> -> memref<1024xi32, #tpu.memory_space<hbm>>
    %dma_start3A_3 = tpu.memref_slice %arg3[%mul3A_0] : memref<16384xi32, #tpu.memory_space<hbm>> -> memref<1024xi32, #tpu.memory_space<hbm>>
    tpu.enqueue_dma source(%dma_start3A_3 : memref<1024xi32, #tpu.memory_space<hbm>>) target(%arg7 : memref<1024xi32, #tpu.memory_space<vmem>>) target_semaphore(%arg12 : memref<!tpu.dma_semaphore, #tpu.memory_space<semaphore_mem>>)
    %dma_wait3A = tpu.memref_slice %arg2[%mul3A_0] : memref<16384xi32, #tpu.memory_space<hbm>> -> memref<1024xi32, #tpu.memory_space<hbm>>
    %dma_wait3A_4 = tpu.memref_slice %arg2[%mul3A_0] : memref<16384xi32, #tpu.memory_space<hbm>> -> memref<1024xi32, #tpu.memory_space<hbm>>
    tpu.wait_dma2 semaphore(%arg11 : memref<!tpu.dma_semaphore, #tpu.memory_space<semaphore_mem>>) src(%dma_wait3A_4 : memref<1024xi32, #tpu.memory_space<hbm>>) dst(%arg6 : memref<1024xi32, #tpu.memory_space<vmem>>)
    %dma_start3A_5 = arith.constant 0 : i32
    %dma_start3A_6 = tpu.memref_slice %arg4[%dma_start3A_5] : memref<1000448xf32, #tpu.memory_space<hbm>> -> memref<1000448xf32, #tpu.memory_space<hbm>>
    tpu.enqueue_indirect_dma source(%dma_start3A_6 : memref<1000448xf32, #tpu.memory_space<hbm>>) target(%arg8 : memref<1024xf32, #tpu.memory_space<vmem>>) offsets(%arg6 : memref<1024xi32, #tpu.memory_space<vmem>>) semaphore(%arg11 : memref<!tpu.dma_semaphore, #tpu.memory_space<semaphore_mem>>)
    %dma_wait3A_7 = tpu.memref_slice %arg3[%mul3A_0] : memref<16384xi32, #tpu.memory_space<hbm>> -> memref<1024xi32, #tpu.memory_space<hbm>>
    %dma_wait3A_8 = tpu.memref_slice %arg3[%mul3A_0] : memref<16384xi32, #tpu.memory_space<hbm>> -> memref<1024xi32, #tpu.memory_space<hbm>>
    tpu.wait_dma2 semaphore(%arg12 : memref<!tpu.dma_semaphore, #tpu.memory_space<semaphore_mem>>) src(%dma_wait3A_8 : memref<1024xi32, #tpu.memory_space<hbm>>) dst(%arg7 : memref<1024xi32, #tpu.memory_space<vmem>>)
    %dma_start3A_9 = arith.constant 0 : i32
    %dma_start3A_10 = tpu.memref_slice %arg4[%dma_start3A_9] : memref<1000448xf32, #tpu.memory_space<hbm>> -> memref<1000448xf32, #tpu.memory_space<hbm>>
    tpu.enqueue_indirect_dma source(%dma_start3A_10 : memref<1000448xf32, #tpu.memory_space<hbm>>) target(%arg9 : memref<1024xf32, #tpu.memory_space<vmem>>) offsets(%arg7 : memref<1024xi32, #tpu.memory_space<vmem>>) semaphore(%arg12 : memref<!tpu.dma_semaphore, #tpu.memory_space<semaphore_mem>>)
    %dma_wait3A_11 = arith.constant 0 : i32
    %dma_wait3A_12 = tpu.memref_slice %arg4[%dma_wait3A_11] : memref<1000448xf32, #tpu.memory_space<hbm>> -> memref<1000448xf32, #tpu.memory_space<hbm>>
    tpu.wait_indirect_dma semaphore(%arg11 : memref<!tpu.dma_semaphore, #tpu.memory_space<semaphore_mem>>) src(%dma_wait3A_12 : memref<1000448xf32, #tpu.memory_space<hbm>>) dst(%arg8 : memref<1024xf32, #tpu.memory_space<vmem>>)
    %dma_wait3A_13 = arith.constant 0 : i32
    %dma_wait3A_14 = tpu.memref_slice %arg4[%dma_wait3A_13] : memref<1000448xf32, #tpu.memory_space<hbm>> -> memref<1000448xf32, #tpu.memory_space<hbm>>
    tpu.wait_indirect_dma semaphore(%arg12 : memref<!tpu.dma_semaphore, #tpu.memory_space<semaphore_mem>>) src(%dma_wait3A_14 : memref<1000448xf32, #tpu.memory_space<hbm>>) dst(%arg9 : memref<1024xf32, #tpu.memory_space<vmem>>)
    %scan3A = arith.constant 0 : i32
    %scan3A_15 = arith.constant 0 : i32
    %scan3A_16 = arith.constant 64 : i32
    %scan3A_17 = arith.addi %scan3A_15, %scan3A_16 : i32
    %scan3A_18 = arith.constant 1 : i32
    scf.for %scan3A_20 = %scan3A_15 to %scan3A_17 step %scan3A_18  : i32 {
      %mul3A_21 = arith.constant 16 : i32
      %mul3A_22 = arith.muli %scan3A_20, %mul3A_21 : i32
      %get3A = arith.index_cast %mul3A_22 : i32 to index
      %get3A_23 = tpu.vector_load %arg9[%get3A] {strides = array<i32>} : memref<1024xf32, #tpu.memory_space<vmem>>, vector<16xf32>,
      %get3A_24 = vector.shape_cast %get3A_23 : vector<16xf32> to vector<16xf32>
      %get3A_25 = arith.index_cast %mul3A_22 : i32 to index
      %get3A_26 = tpu.vector_load %arg8[%get3A_25] {strides = array<i32>} : memref<1024xf32, #tpu.memory_space<vmem>>, vector<16xf32>,
      %get3A_27 = vector.shape_cast %get3A_26 : vector<16xf32> to vector<16xf32>
      %sub3A = arith.subf %get3A_24, %get3A_27 : vector<16xf32>
      %exp3A = math.exp %sub3A : vector<16xf32>
      %add3A = arith.constant 1.000000e+00 : f32
      %add3A_28 = vector.broadcast %add3A : f32 to vector<16xf32>
      %add3A_29 = arith.addf %add3A_28, %exp3A : vector<16xf32>
      %div3A = arith.constant 1.000000e+00 : f32
      %div3A_30 = vector.broadcast %div3A : f32 to vector<16xf32>
      %div3A_31 = arith.divf %div3A_30, %add3A_29 : vector<16xf32>
      %swap3A = arith.index_cast %mul3A_22 : i32 to index
      %swap3A_32 = tpu.vector_load %arg10[%swap3A] {strides = array<i32>} : memref<1024xf32, #tpu.memory_space<vmem>>, vector<16xf32>,
      %swap3A_33 = vector.shape_cast %swap3A_32 : vector<16xf32> to vector<16xf32>
      %swap3A_34 = vector.shape_cast %div3A_31 : vector<16xf32> to vector<16xf32>
      tpu.vector_store %arg10[%swap3A], %swap3A_34 {strides = array<i32>} : memref<1024xf32, #tpu.memory_space<vmem>>, vector<16xf32>,
    }
    %scan3A_19 = arith.constant 64 : i32
    "tpu.region"() ({
      %run_scoped3A = tpu.sem_alloc : memref<!tpu.dma_semaphore, #tpu.memory_space<semaphore_mem>>
      %dma_start3A_20 = tpu.memref_slice %arg5[%mul3A_0] : memref<16384xf32, #tpu.memory_space<hbm>> -> memref<1024xf32, #tpu.memory_space<hbm>>
      %dma_start3A_21 = tpu.memref_slice %arg5[%mul3A_0] : memref<16384xf32, #tpu.memory_space<hbm>> -> memref<1024xf32, #tpu.memory_space<hbm>>
      tpu.enqueue_dma source(%arg10 : memref<1024xf32, #tpu.memory_space<vmem>>) target(%dma_start3A_21 : memref<1024xf32, #tpu.memory_space<hbm>>) target_semaphore(%run_scoped3A : memref<!tpu.dma_semaphore, #tpu.memory_space<semaphore_mem>>)
      %dma_wait3A_22 = tpu.memref_slice %arg5[%mul3A_0] : memref<16384xf32, #tpu.memory_space<hbm>> -> memref<1024xf32, #tpu.memory_space<hbm>>
      %dma_wait3A_23 = tpu.memref_slice %arg5[%mul3A_0] : memref<16384xf32, #tpu.memory_space<hbm>> -> memref<1024xf32, #tpu.memory_space<hbm>>
      tpu.wait_dma2 semaphore(%run_scoped3A : memref<!tpu.dma_semaphore, #tpu.memory_space<semaphore_mem>>) src(%arg10 : memref<1024xf32, #tpu.memory_space<vmem>>) dst(%dma_wait3A_23 : memref<1024xf32, #tpu.memory_space<hbm>>)
      tpu.yield
    }) : () -> ()
    return
  }
}

</mosaic_0001>

<sc_bundles>
// kernel: kernel.3.cloned.1.call-start
scs
__scs_entry_jumppad:
0x0: {  	(pc) =	sbr.rel $0x88, $3  }
0x1: {  	(tag) =	ssettag $0x0;
	lr =	simm.s32 $0x1  }
0x2: {  	[smem:$0x3F9E] =	sst lr;
	_ =	strace $0xD0000000  }
0x3: {  	_ = 	snop  }
0x4: {  	_ = 	snop  }
0x5: {  	_ = 	snop  }
0x6: {  	_ = 	snop  }
0x7: {  	_ = 	snop  }
__scs_overlays_trampoline_lowered:
0x8: {  	[smem:$0x3FAD] =	sst s0  }
0x9: {  	[smem:$0x3FAE] =	sst s1  }
0xa: {  	[smem:$0x3FAF] =	sst s2  }
0xb: {  	[smem:$0x3FB0] =	sst s3  }
0xc: {  	[smem:$0x3FB1] =	sst s4  }
0xd: {  	[smem:$0x3FB2] =	sst s5  }
0xe: {  	[smem:$0x3FB3] =	sst s6  }
0xf: {  	[smem:$0x3FB4] =	sst s7  }
0x10: {  	[smem:$0x3FB5] =	sst s8  }
0x11: {  	[smem:$0x3FB6] =	sst s9;
	s0 =	simm.s32 @!p0 $0x0  }
0x12: {  	s1 =	sld [smem:$0x3F9C];
	s0 =	simm.s32 @p0 $0x1  }
0x13: {  	[smem:$0x3FB7] =	sst s0;
	s0 =	simm.s32 @!p1 $0x0  }
0x14: {  	s2 =	sld [smem:$0x3F9B];
	s0 =	simm.s32 @p1 $0x1  }
0x15: {  	[smem:$0x3FB8] =	sst s0;
	s0 =	simm.s32 @!p2 $0x0  }
0x16: {  	s3 =	sld [smem:$0x3FDB];
	s0 =	simm.s32 @p2 $0x1  }
0x17: {  	s4 =	simm.s32 $0x1BF5;
	[smem:$0x3FBA] =	sst s0  }
0x18: {  	s0 =	sld [smem:$0x3F9D];
	_ =	swait.ge [sflag:s4], $0x0  }
0x19: {  	s7 =	sld [smem:$0x3F9E]  }
0x1a: {  	s8 =	sadd.s32 $0xFFFFE003, lr  }
0x1b: {  	s9 =	sadd.s32 $0xFFFFFEF7, lr;
	s5 =	simm.s32 $0xFFFFFFFF;
	p2 =	slt.u32 s8, $0xFFFFF086  }
0x1c: {  	p1 =	slt.u32 s9, $0xF7A;
	s5 =	simm.s32 @!p2 $0x0  }
0x1d: {  	s5 =	simm.s32 @p1 $0x1;
	p0 =	seq.s32 s7, s2  }
0x1e: {  	s7 =	smul.u32 @!p0 $0xF7A, s2;
	p2 =	seq.s32 @!p0 s5, $0x0  }
0x1f: {  	s9 =	smul.u32 $0xF7A, s1;
	s8 =	simm.s32 @!p0 $0x1BF5;
	p2 =	por !p2, p0  }
0x20: {  	[sflag:s8] =	ssyncset.s32 @!p0 $0xFFFFF086;
	s6 =	sadd.s32 @!p0 s3, s7;
	s7 =	simm.s32 @!p0 $0x108  }
0x21: {  	s3 =	sadd.s32 s3, s9;
	s6 =	sadd.s32 @!p0 $0x88, s6;
	s7 =	simm.s32 @p2 $0x1082  }
0x22: {  	[simem:s7], [sflag:s8] =	dma.local @!p0 [hbm:s6], $0xF7A  }
0x23: {  	s9 =	sor.u32 $0xD0000000, s2;
	s6 =	simm.s32 $0x108;
	_ =	swait.ge @!p0 [sflag:s8], $0x0  }
0x24: {  	s3 =	sadd.s32 $0x88, s3;
	s6 =	simm.s32 @!p1 $0x1082;
	[sflag:s4] =	ssyncset.s32 $0xFFFFF086  }
0x25: {  	[simem:s6], [sflag:s4] =	dma.local [hbm:s3], $0xF7A  }
0x26: {  	[smem:$0x3F9E] =	sst s1;
	(tag) =	ssettag s2;
	_ =	strace s9  }
0x27: {  	s1 =	sld [smem:$0x3FAE]  }
0x28: {  	s2 =	sld [smem:$0x3FAF]  }
0x29: {  	s4 =	sld [smem:$0x3FB1]  }
0x2a: {  	p0 =	seq.s32 s5, $0x0;
	s5 =	sld [smem:$0x3FB2]  }
0x2b: {  	s6 =	sld [smem:$0x3FB3]  }
0x2c: {  	s7 =	sld [smem:$0x3FB4]  }
0x2d: {  	s3 =	simm.s32 $0x108;
	s8 =	sld [smem:$0x3FB5]  }
0x2e: {  	s3 =	simm.s32 @!p0 $0x1082;
	s9 =	sld [smem:$0x3FB6]  }
0x2f: {  	lr =	sadd.s32 s0, s3;
	s0 =	sld [smem:$0x3FAD]  }
0x30: {  	s3 =	sld [smem:$0x3FB0]  }
0x31: {  	[smem:$0x3FB9] =	sst s10  }
0x32: {  	s10 =	sld [smem:$0x3FB7];
	_ =	sdelay $0x3  }
0x33: {  	p0 =	seq.s32 s10, $0x1;
	s10 =	sld [smem:$0x3FB9];
	_ =	sdelay $0x3  }
0x34: {  	[smem:$0x3FB9] =	sst s10  }
0x35: {  	s10 =	sld [smem:$0x3FB8];
	_ =	sdelay $0x3  }
0x36: {  	p1 =	seq.s32 s10, $0x1;
	s10 =	sld [smem:$0x3FB9];
	_ =	sdelay $0x3  }
0x37: {  	[smem:$0x3FB9] =	sst s10  }
0x38: {  	s10 =	sld [smem:$0x3FBA]  }
0x39: {  	_ = 	snop;
	(pc) =	sbr.ind lr, $3  }
0x3a: {  	_ = 	snop  }
0x3b: {  	_ = 	snop  }
0x3c: {  	p2 =	seq.s32 s10, $0x1;
	s10 =	sld [smem:$0x3FB9]  }
0x3d: {  	_ =	shalt  }
0x3e: {  	_ =	shalt  }
0x3f: {  	_ =	shalt  }
0x40: {  	_ =	shalt  }
0x41: {  	_ =	shalt  }
0x42: {  	_ =	shalt  }
0x43: {  	_ =	shalt  }
0x44: {  	_ =	shalt  }
0x45: {  	_ =	shalt  }
0x46: {  	_ =	shalt  }
0x47: {  	_ =	shalt  }
0x48: {  	_ =	shalt  }
0x49: {  	_ =	shalt  }
0x4a: {  	_ =	shalt  }
0x4b: {  	_ =	shalt  }
0x4c: {  	_ =	shalt  }
0x4d: {  	_ =	shalt  }
0x4e: {  	_ =	shalt  }
0x4f: {  	_ =	shalt  }
0x50: {  	_ =	shalt  }
0x51: {  	_ =	shalt  }
0x52: {  	_ =	shalt  }
0x53: {  	_ =	shalt  }
0x54: {  	_ =	shalt  }
0x55: {  	_ =	shalt  }
0x56: {  	_ =	shalt  }
0x57: {  	_ =	shalt  }
0x58: {  	_ =	shalt  }
0x59: {  	_ =	shalt  }
0x5a: {  	_ =	shalt  }
0x5b: {  	_ =	shalt  }
0x5c: {  	_ =	shalt  }
0x5d: {  	_ =	shalt  }
0x5e: {  	_ =	shalt  }
0x5f: {  	_ =	shalt  }
0x60: {  	_ =	shalt  }
0x61: {  	_ =	shalt  }
0x62: {  	_ =	shalt  }
0x63: {  	_ =	shalt  }
0x64: {  	_ =	shalt  }
0x65: {  	_ =	shalt  }
0x66: {  	_ =	shalt  }
0x67: {  	_ =	shalt  }
0x68: {  	_ =	shalt  }
0x69: {  	_ =	shalt  }
0x6a: {  	_ =	shalt  }
0x6b: {  	_ =	shalt  }
0x6c: {  	_ =	shalt  }
0x6d: {  	_ =	shalt  }
0x6e: {  	_ =	shalt  }
0x6f: {  	_ =	shalt  }
0x70: {  	_ =	shalt  }
0x71: {  	_ =	shalt  }
0x72: {  	_ =	shalt  }
0x73: {  	_ =	shalt  }
0x74: {  	_ =	shalt  }
0x75: {  	_ =	shalt  }
0x76: {  	_ =	shalt  }
0x77: {  	_ =	shalt  }
0x78: {  	_ =	shalt  }
0x79: {  	_ =	shalt  }
0x7a: {  	_ =	shalt  }
0x7b: {  	_ =	shalt  }
0x7c: {  	_ =	shalt  }
0x7d: {  	_ =	shalt  }
0x7e: {  	_ =	shalt  }
0x7f: {  	_ =	shalt  }
0x80: {  	_ =	shalt  }
0x81: {  	_ =	shalt  }
0x82: {  	_ =	shalt  }
0x83: {  	_ =	shalt  }
0x84: {  	_ =	shalt  }
0x85: {  	_ =	shalt  }
0x86: {  	_ =	shalt  }
0x87: {  	_ =	shalt  }
.Lfunc_end0:
.L_simem_size_0:
called_computation_lowered:
.L_overlay_start_0:
0x88: {  	s0 =	sld [smem:$0x3FD9]  }
0x89: {  	s1 =	sld [smem:$0x3FFE];
	_ =	sdelay $0x3  }
0x8a: {  	s0 =	sadd.s32 s1, s0  }
0x8b: {  	[smem:$0x3FC5] =	sst s0  }
0x8c: {  	_ = 	snop  }
0x8d: {  	s0 =	sld [smem:$0x3FC9]  }
0x8e: {  	s16 =	sld [smem:$0x3FC8]  }
0x8f: {  	s2 =	sld [smem:$0x3FD0];
	(tm) =	ssettm $0x1  }
0x90: {  	s3 =	sld [smem:$0x3FFB];
	_ =	sdelay $0x3  }
0x91: {  	_ =	strace s3  }
0x92: {  	s3 =	sld [smem:$0x3FFC];
	_ =	sdelay $0x3  }
0x93: {  	_ =	strace s3  }
0x94: {  	s3 =	sld [smem:$0x3FFD];
	_ =	sdelay $0x3  }
0x95: {  	_ =	strace s3  }
0x96: {  	_ =	strace $0x8FFFFFFF  }
0x97: {  	s17 =	sld [smem:$0x3FDB];
	_ =	sdelay $0x1  }
0x98: {  	s4 =	simm.s32 $_scs_section_size  }
0x99: {  	s5 =	simm.s32 $_size__tile_overlayer_lowered;
	s6 =	simm.s32 $_tile_overlayer_lowered  }
0x9a: {  	s20 =	simm.s32 $0x1BFF;
	s19 =	sshll.u32 s6, $0x1;
	s3 =	sadd.s32 s4, s17  }
0x9b: {  	s7 =	simm.s32 $0x0;
	s18 =	sshll.u32 s5, $0x1;
	s5 =	sadd.s32 s19, s3  }
0x9c: {  	[timem:s7], [sflag:s20] =	dma.local [hbm:s5], s18  }
0x9d: {  	_ =	swait.ge [sflag:s20], s18  }
0x9e: {  	s4 =	ssub.s32 $0x0, s18;
	[sflag:s20] =	ssyncset.done $0x0  }
0x9f: {  	[sflag:s20] =	ssyncadd.s32 s4;
	_ =	sdelay $0x1  }
0xa0: {  	s21 =	simm.s32 $0x1B8B  }
0xa1: {  	_ =	swait.ge [sflag:s21], $0x1  }
0xa2: {  	[sflag:s21] =	ssyncset.done $0x0  }
0xa3: {  	s23 =	simm.s32 $0x1B8E;
	s22 =	sld [smem:$0x3FFE];
	[sflag:s21] =	ssyncadd.s32 $0xFFFFFFFF  }
0xa4: {  	s24 =	simm.s32 $execute0_lowered;
	[smem:$0x3FD2] =	sst s23  }
0xa5: {  	s5 =	sshll.u32 s24, $0x1;
	_ =	strace $0x80000046;
	[dreg:$0x1] =	wrdreg $0xFFFFFFFF  }
0xa6: {  	s25 =	simm.s32 $_size_execute0_lowered;
	s3 =	sadd.s32 s3, s5;
	[dreg:$0x0] =	wrdreg $0x0  }
0xa7: {  	s5 =	sshll.u32 s25, $0x1;
	[dreg:$0x2] =	wrdreg s3  }
0xa8: {  	[dreg:$0x3] =	wrdreg s5  }
0xa9: {  	[dreg:$0x4] =	wrdreg $0xC0  }
0xaa: {  	_ =	task [dreg:s7], $0x5FFFF  }
0xab: {  	[dreg:$0x1] =	wrdreg $0xFFFFFFFF  }
0xac: {  	[dreg:$0x0] =	wrdreg $0x60  }
0xad: {  	[dreg:$0x2] =	wrdreg s0  }
0xae: {  	[dreg:$0x3] =	wrdreg s16  }
0xaf: {  	[dreg:$0x4] =	wrdreg s22  }
0xb0: {  	[dreg:$0x5] =	wrdreg s2  }
0xb1: {  	[dreg:$0x6] =	wrdreg $0x9  }
0xb2: {  	_ =	task.clear_ibuf [dreg:s7], $0x7FFFF;
	_ =	strace $0x90000046  }
0xb3: {  	s26 =	simm.s32 $0x9;
	_ =	strace $0x80000048  }
0xb4: {  	_ =	swait.ge [sflag:s26], $0x1  }
0xb5: {  	[sflag:s26] =	ssyncadd.s32 $0xFFFFFFFF  }
0xb6: {  	_ =	strace $0x90000048  }
0xb7: {  	_ =	sfence  }
0xb8: {  	s28 =	sld [smem:$0x0];
	_ =	sdelay $0x1  }
0xb9: {  	s29 =	srdreg.scid  }
0xba: {  	s30 =	sshll.u32 s29, $0xD;
	s31 =	sshrl.u32 s29, $0x2  }
0xbb: {  	s1 =	sand.u32 $0x1, s29;
	s2 =	sand.u32 $0x4000, s30;
	s0 =	sadd.s32 s31, s28  }
0xbc: {  	s1 =	sor.u32 s2, s1;
	s0 =	sshll.u32 s0, $0x11  }
0xbd: {  	s0 =	sor.u32 s0, s1  }
0xbe: {  	s0 =	sadd.s32 $0x8F2B, s0  }
0xbf: {  	[sflag:s0] =	ssyncadd.remote.s32 $0x1  }
0xc0: {  	_ =	sfence.sel $0xFFFF  }
0xc1: {  	[dreg:$0x0] =	wrdreg $0xFFFFFFFF;
	(pc) =	sbr.abs _section_cstart, $3  }
0xc2: {  	[dreg:$0x1] =	wrdreg $0xFFFFFFFF  }
0xc3: {  	_ =	task.clear_ibuf [dreg:s7], $0x2FFFF;
	_ =	strace $0x9FFFFFFF  }
0xc4: {  	(tm) =	ssettm $0x7FFFFFFF  }
0xc5: {  	_ =	shalt  }
tec
execute0_lowered:
.L_overlay_start_1:
0x0: {  	(tag) =	ssettag $0x1  }
0x1: {  	s4 =	rddreg [dreg:$0x0]  }
0x2: {  	s5 =	rddreg [dreg:$0x1]  }
0x3: {  	s6 =	rddreg [dreg:$0x2]  }
0x4: {  	s2 =	rddreg [dreg:$0x3];
	s7 =	simm.s32 $0x0;
	s1 =	stileid.u32  }
0x5: {  	[smem:$0x7FF] =	sst s7;
	s3 =	sshll.u32 s1, $0x7  }
0x6: {  	s0 =	rddreg [dreg:$0x4];
	_ =	strace $0x80000047;
	s4 =	sadd.s32 s4, s3  }
0x7: {  	[tilespmem:s7], [sflag:$0x1] =	stream.linear.gather [hbm4b:s4+s7], $0x400, $0x38;
	[tilespmem:$0x1400] =	vst v63  }
0x8: {  	s28 =	simm.s32 $0x400;
	s29 =	simm.s32 $0x1;
	s26 =	sadd.s32 s5, s3  }
0x9: {  	[tilespmem:s28], [sflag:$0x2] =	stream.linear.gather [hbm4b:s26+s7], $0x400, $0x38;
	[tilespmem:$0x1400] =	vst v63  }
0xa: {  	_ =	swait.ge [sflag:s29], $0x400  }
0xb: {  	s8 =	simm.s32 $0x800;
	[sflag:s29] =	ssyncset.done $0x0  }
0xc: {  	s30 =	simm.s32 $0x2;
	s6 =	sadd.s32 $0x400, s6;
	[sflag:s29] =	ssyncadd.s32 $0xFFFFFC00  }
0xd: {  	[tilespmem:s8], [sflag:$0x1] =	stream.indirect.gather [hbm4b:s6+s28], $0x1, s7, s28, $0xb8;
	[tilespmem:$0x1400] =	vst v63  }
0xe: {  	_ =	swait.ge [sflag:s30], $0x400  }
0xf: {  	[sflag:s30] =	ssyncset.done $0x0  }
0x10: {  	s31 =	simm.s32 $0xC00;
	[sflag:s30] =	ssyncadd.s32 $0xFFFFFC00  }
0x11: {  	[tilespmem:s31], [sflag:$0x2] =	stream.indirect.gather [hbm4b:s6+s28], $0x1, s28, s28, $0xb8;
	[tilespmem:$0x1400] =	vst v63  }
0x12: {  	_ =	swait.ge [sflag:s29], $0x400  }
0x13: {  	[sflag:s29] =	ssyncset.done $0x0  }
0x14: {  	[sflag:s29] =	ssyncadd.s32 $0xFFFFFC00  }
0x15: {  	_ =	swait.ge [sflag:s30], $0x400  }
0x16: {  	[sflag:s30] =	ssyncset.done $0x0  }
0x17: {  	s4 =	simm.s32 $0x0;
	[sflag:s30] =	ssyncadd.s32 $0xFFFFFC00  }
0x18: {  	v0 =	vld [tilespmem:s4+$0xC00]  }
0x19: {  	v1 =	vld [tilespmem:s4+$0x800];
	_ =	sdelay $0x2  }
0x1a: {  	s5 =	simm.s32 $0x10  }
0x1b: {  	v2 =	vld [tilespmem:s5+$0xC00]  }
0x1c: {  	v3 =	vld [tilespmem:s5+$0x800];
	v0 =	vsub.f32 v0, v1;
	_ =	sdelay $0x1  }
0x1d: {  	v0 =	vmul.f32 $1.442695020e+00, v0;
	_ =	sdelay $0x1  }
0x1e: {  	s6 =	simm.s32 $0x20;
	(erf) = vpow2.f32 v0  }
0x1f: {  	v1 =	vsub.f32 v2, v3;
	v2 =	vld [tilespmem:s6+$0x800]  }
0x20: {  	v0 =	vld [tilespmem:s6+$0xC00]  }
0x21: {  	s7 =	simm.s32 $0x30;
	v1 =	vmul.f32 $1.442695020e+00, v1  }
0x22: {  	v3 =	vld [tilespmem:s7+$0x800]  }
0x23: {  	(erf) = vpow2.f32 v1;
	v1 =	vld [tilespmem:s7+$0xC00];
	_ =	sdelay $0x1  }
0x24: {  	v0 =	vsub.f32 v0, v2;
	_ =	sdelay $0x1  }
0x25: {  	v0 =	vmul.f32 $1.442695020e+00, v0;
	v2 =	vpop (erf)  }
0x26: {  	v1 =	vsub.f32 v1, v3;
	v2 =	vadd.f32 $1.000000000e+00, v2  }
0x27: {  	(erf) = vpow2.f32 v0  }
0x28: {  	s8 =	simm.s32 $0x40;
	v3 =	vmul.f32 $1.442695020e+00, v1;
	(erf) = vrcp.f32 v2  }
0x29: {  	v1 =	vld [tilespmem:s8+$0x800]  }
0x2a: {  	v0 =	vld [tilespmem:s8+$0xC00];
	v2 =	vpop (erf);
	(erf) = vpow2.f32 v3;
	_ =	sdelay $0x1  }
0x2b: {  	v2 =	vadd.f32 $1.000000000e+00, v2  }
0x2c: {  	s9 =	simm.s32 $0x140  }
.LBB2_1:
0x2d: {  	s10 =	sshra.s32 s9, $0x2;
	(erf) = vrcp.f32 v2;
	p0 =	sne.s32 s9, $0xFC0  }
.Ltmp0:
0x2e: {  	v2 =	vsub.f32 v0, v1;
	v0 =	vld [tilespmem:s10+$0xC00];
	(pc) =	sbr.rel @p0 .LBB2_1-.Ltmp0, $4  }
0x2f: {  	s9 =	sadd.s32 $0x40, s9;
	v1 =	vld [tilespmem:s10+$0x800];
	v3 =	vpop (erf)  }
0x30: {  	v4 =	vmul.f32 $1.442695020e+00, v2;
	v5 =	vpop (erf)  }
0x31: {  	v2 =	vadd.f32 $1.000000000e+00, v3;
	[tilespmem:s4+$0x1000] =	vst v5;
	s4 =	smov.u32 s5;
	s5 =	smov.u32 s6;
	s6 =	smov.u32 s7  }
0x32: {  	s7 =	smov.u32 s8;
	s8 =	smov.u32 s10;
	(erf) = vpow2.f32 v4  }
0x33: {  	_ = 	snop  }
0x34: {  	v0 =	vsub.f32 v0, v1;
	_ =	sdelay $0x1  }
0x35: {  	v0 =	vmul.f32 $1.442695020e+00, v0  }
0x36: {  	(erf) = vrcp.f32 v2  }
0x37: {  	(erf) = vpow2.f32 v0;
	_ =	sdelay $0x4  }
0x38: {  	v57 =	vpop (erf)  }
0x39: {  	v58 =	vpop (erf)  }
0x3a: {  	v59 =	vpop (erf)  }
0x3b: {  	v0 =	vadd.f32 $1.000000000e+00, v57;
	v3 =	vpop (erf)  }
0x3c: {  	v2 =	vadd.f32 $1.000000000e+00, v59;
	v4 =	vpop (erf)  }
0x3d: {  	(erf) = vrcp.f32 v0;
	v60 =	vadd.f32 $1.000000000e+00, v4  }
0x3e: {  	(erf) = vrcp.f32 v2  }
0x3f: {  	(erf) = vrcp.f32 v60;
	_ =	sdelay $0x5  }
0x40: {  	[tilespmem:s4+$0x1000] =	vst v58  }
0x41: {  	[tilespmem:s5+$0x1000] =	vst v3;
	v61 =	vpop (erf)  }
0x42: {  	[tilespmem:s6+$0x1000] =	vst v61;
	v62 =	vpop (erf)  }
0x43: {  	s2 =	sadd.s32 s2, s3;
	[tilespmem:s7+$0x1000] =	vst v62;
	v63 =	vpop (erf)  }
0x44: {  	s29 =	simm.s32 $0x0;
	s30 =	simm.s32 $0x1000;
	s31 =	simm.s32 $0x3;
	[tilespmem:s8+$0x1000] =	vst v63  }
0x45: {  	[hbm4b:s2+s29] =	stream.linear.scatter [tilespmem:s30], [sflag:$0x3], $0x400, $0x38;
	[tilespmem:$0x1400] =	vst v63  }
0x46: {  	_ =	swait.ge [sflag:s31], $0x400  }
0x47: {  	[sflag:s31] =	ssyncset.done $0x0  }
0x48: {  	[sflag:s31] =	ssyncadd.s32 $0xFFFFFC00  }
0x49: {  	_ =	sfence.sel $0x180000  }
0x4a: {  	[bflag:$0x0] =	sbarrier.arrive $0xFFFF  }
0x4b: {  	p0 =	sne.s32 s1, $0x0;
	_ =	strace $0x90000047  }
0x4c: {  	s0 =	sadd.s32 @!p0 $0x100000, s0;
	[bflag:$0x2] =	sbarrier.arrive $0xFFFF  }
0x4d: {  	[sflag:s0] =	ssyncadd.tile.s32 @!p0 $0x1;
	_ =	shalt  }
.Lfunc_end2:
_tile_overlayer_lowered:
.L_overlay_start_2:
0x4e: {  	(tag) =	ssettag $0x2  }
0x4f: {  	s0 =	rddreg [dreg:$0x0];
	s2 =	stileid.u32  }
0x50: {  	s1 =	rddreg [dreg:$0x1];
	p0 =	sne.s32 s2, $0x0  }
0x51: {  	s3 =	rddreg [dreg:$0x2];
	[bflag:$0x3] =	sbarrier.arrive $0xFFFF;
	s2 =	simm.s32 @!p0 $0x1C03  }
0x52: {  	[timem:s3], [sflag:s2] =	dma.local @!p0 [hbm:s0], s1  }
0x53: {  	s0 =	simm.s32 @!p0 $0x3  }
0x54: {  	_ =	swait.ge @!p0 [sflag:s0], s1  }
0x55: {  	s1 =	ssub.s32 @!p0 $0x0, s1;
	[sflag:s0] =	ssyncset.done @!p0 $0x0  }
0x56: {  	[sflag:s0] =	ssyncadd.s32 @!p0 s1  }
0x57: {  	[bflag:$0x3] =	sbarrier.arrive $0xFFFF  }
0x58: {  	_ =	shalt  }

</sc_bundles>
